<compile_context>
chip_gen: v7x
topology: tpu7x:2x2x1
jax: 0.10.2.dev20260603
libtpu: 0.0.44.dev20260713+nightly
codegen_flags: <defaults>
</compile_context>

<pallas_src>
import functools

import jax
import jax.numpy as jnp
from jax import lax
from jax.experimental import pallas as pl
from jax.experimental.pallas import tpu as pltpu
from jax.experimental.pallas import tpu_sc as plsc

N = 1048576
D_FEAT = 64
M_MAG = 256
N_DIR = 16

BLOCK = 32768
HALF = BLOCK // 2
GRID = N // BLOCK

SC_CORES = 2
SC_SUBCORES = 16
SC_LANES = 16
NW = SC_CORES * SC_SUBCORES
CHUNK = N // NW
PCHUNK = CHUNK // 2


def _tc_digitize_kernel(x_ref, mean_ref, std_ref, a_ref, at_ref, dirs_ref,
                        counts_ref, flat_ref, table_ref):
    b = x_ref.shape[1]
    inv_std = 1.0 / std_ref[...]
    vt = (x_ref[...] - mean_ref[...]) * inv_std
    sq_t = jnp.sum(vt * vt, axis=0, keepdims=True)
    mag_t = jnp.sqrt(sq_t)

    unit_t = vt * (1.0 / (mag_t + 1e-12))
    sims_t = lax.dot_general(dirs_ref[...], unit_t, (((1,), (0,)), ((), ())),
                             preferred_element_type=jnp.float32)
    si = lax.bitcast_convert_type(sims_t, jnp.int32)
    key = (si ^ ((si >> 31) & jnp.int32(0x7FFFFFFF))) | jnp.int32(15)
    io16 = lax.broadcasted_iota(jnp.int32, (N_DIR, b), 0)
    key = key - io16
    dir_t = 15 - (jnp.max(key, axis=0, keepdims=True) & jnp.int32(15))

    coarse = a_ref[...][:, 0:1]
    cmat = (coarse <= mag_t).astype(jnp.float32)
    cc = jnp.sum(cmat, axis=0, keepdims=True)
    onehot_c = cmat - jnp.concatenate(
        [cmat[1:, :], jnp.zeros((1, b), dtype=jnp.float32)], axis=0)
    fine16 = lax.dot_general(at_ref[...], onehot_c, (((1,), (0,)), ((), ())),
                             precision=lax.Precision.HIGHEST,
                             preferred_element_type=jnp.float32)
    fc = jnp.sum((fine16 <= mag_t).astype(jnp.float32), axis=0, keepdims=True)
    mag_idx = jnp.clip(
        (16.0 * (cc - 1.0) + fc - 1.0).astype(jnp.int32), 0, M_MAG - 1)

    flat = dir_t * M_MAG + mag_idx
    h = b // 2
    packed = flat[:, :h] | (flat[:, h:] << 16)
    flat_ref[...] = packed.reshape(1, 1, h)

    tot = jnp.maximum(jnp.int32(1), jnp.sum(counts_ref[...]))
    table_ref[...] = counts_ref[...].astype(jnp.float32) / tot.astype(jnp.float32)


def _tc_digitize(vectors, mean, std, edges, dirs, counts, interpret=False):
    a = edges.reshape(16, 16)
    at = a.T
    return pl.pallas_call(
        _tc_digitize_kernel,
        grid=(GRID,),
        in_specs=[
            pl.BlockSpec((D_FEAT, BLOCK), lambda i: (0, i)),
            pl.BlockSpec((D_FEAT, 1), lambda i: (0, 0)),
            pl.BlockSpec((D_FEAT, 1), lambda i: (0, 0)),
            pl.BlockSpec((16, 16), lambda i: (0, 0)),
            pl.BlockSpec((16, 16), lambda i: (0, 0)),
            pl.BlockSpec((N_DIR, D_FEAT), lambda i: (0, 0)),
            pl.BlockSpec((N_DIR, M_MAG), lambda i: (0, 0)),
        ],
        out_specs=[
            pl.BlockSpec((1, 1, HALF), lambda i: (i, 0, 0)),
            pl.BlockSpec((N_DIR, M_MAG), lambda i: (0, 0)),
        ],
        out_shape=[
            jax.ShapeDtypeStruct((GRID, 1, HALF), jnp.int32),
            jax.ShapeDtypeStruct((N_DIR, M_MAG), jnp.float32),
        ],
        compiler_params=pltpu.CompilerParams(
            dimension_semantics=("arbitrary",)),
        interpret=interpret,
    )(vectors.T, mean.reshape(D_FEAT, 1), std.reshape(D_FEAT, 1), a, at,
      dirs, counts)


def _sc_gather(table_flat, packed_idx):
    mesh = plsc.VectorSubcoreMesh(core_axis_name="c", subcore_axis_name="s")
    bpw = PCHUNK // HALF

    @functools.partial(
        pl.kernel, mesh=mesh,
        out_type=jax.ShapeDtypeStruct((N,), jnp.float32),
        compiler_params=pltpu.CompilerParams(needs_layout_passes=False),
        scratch_types=[
            pltpu.VMEM((N_DIR * M_MAG,), jnp.float32),
            pltpu.VMEM((PCHUNK,), jnp.int32),
            pltpu.VMEM((CHUNK,), jnp.float32),
        ],
    )
    def gather_kernel(table_hbm, idx_hbm, out_hbm, table_v, idx_v, out_v):
        wid = lax.axis_index("s") * SC_CORES + lax.axis_index("c")
        pltpu.sync_copy(table_hbm, table_v)
        pltpu.sync_copy(idx_hbm.at[pl.ds(wid * PCHUNK, PCHUNK)], idx_v)

        for t in range(bpw):
            def body(i, _, t=t):
                off = t * HALF + i * SC_LANES
                w = idx_v[pl.ds(off, SC_LANES)]
                lo = w & 0xFFFF
                hi = w >> 16
                o = t * BLOCK + i * SC_LANES
                out_v[pl.ds(o, SC_LANES)] = plsc.load_gather(table_v, [lo])
                out_v[pl.ds(o + HALF, SC_LANES)] = \
                    plsc.load_gather(table_v, [hi])
                return 0

            lax.fori_loop(0, HALF // SC_LANES, body, 0, unroll=8)
        pltpu.sync_copy(out_v, out_hbm.at[pl.ds(wid * CHUNK, CHUNK)])

    return gather_kernel(table_flat, packed_idx)


def kernel(vectors, mean, std, reference_magnitudes, reference_directions,
           counts):
    flat, table = _tc_digitize(vectors, mean, std, reference_magnitudes,
                               reference_directions, counts)
    probs = _sc_gather(table.reshape(N_DIR * M_MAG), flat.reshape(N // 2))
    return probs

# --- scband reference (transcript-rebuilt; emitter-appended) ---
"""Pipeline reference for scband-hyper-space-59889023975793 (READ-ONLY COPY).

The authoritative reference and input builder live on the scoring server;
editing this copy changes nothing except your own understanding.
"""

import jax, jax.numpy as jnp
import numpy as np

N = 1048576
D_FEAT = 64
M_MAG = 256            # num_magnitude_subsections
N_DIR = 2 ** 4         # 2 ** num_direction_bisections reference directions


def setup_inputs(seed: int = 0) -> dict:
    key = jax.random.key(seed)
    k1, k2, k3, k4, k5 = jax.random.split(key, 5)
    vectors = jax.random.normal(k1, (N, D_FEAT), dtype=jnp.float32)
    # VectorNormalizer running stats (buffers)
    mean = (jax.random.normal(k2, (D_FEAT,), dtype=jnp.float32) * 0.1)
    std = jax.random.uniform(k3, (D_FEAT,), dtype=jnp.float32, minval=0.5, maxval=1.5)
    # get_reference_directions: unit vectors on the hypersphere
    dirs = jax.random.normal(k4, (N_DIR, D_FEAT), dtype=jnp.float32)
    dirs = dirs / jnp.linalg.norm(dirs, axis=1, keepdims=True)
    # get_reference_magnitudes: sorted bin edges around E[||z||] = sqrt(d) for normalized vectors
    c = float(np.sqrt(D_FEAT))
    reference_magnitudes = jnp.linspace(c - 4.0, c + 4.0, M_MAG).astype(jnp.float32)
    # accumulated counts buffer (int)
    counts = jax.random.randint(k5, (N_DIR, M_MAG), 0, 1000).astype(jnp.int32)
    return {
        'vectors': vectors,
        'mean': mean,
        'std': std,
        'reference_magnitudes': reference_magnitudes,
        'reference_directions': dirs,
        'counts': counts,
    }


def _digitize(v, reference_magnitudes, reference_directions):
    mags = jnp.linalg.norm(v, axis=1)
    mag_idx = jnp.clip(
        jnp.searchsorted(reference_magnitudes, jax.lax.stop_gradient(mags), side='right') - 1,
        0, reference_magnitudes.shape[0] - 1)
    unit = v / (mags[:, None] + 1e-12)
    sims = unit @ reference_directions.T
    dir_idx = jnp.argmax(jax.lax.stop_gradient(sims), axis=1)
    return dir_idx, mag_idx


def reference(vectors, mean, std, reference_magnitudes, reference_directions, counts):
    # VectorNormalizer (eval mode): normalize with running stats
    v = (vectors - mean[None, :]) / std[None, :]
    dir_idx, mag_idx = _digitize(v, reference_magnitudes, reference_directions)
    total = jnp.maximum(jnp.int32(1), counts.sum())
    probabilities_table = counts.astype(jnp.float32) / total.astype(jnp.float32)
    probabilities = probabilities_table[dir_idx, mag_idx]
    return probabilities


if False:  # reference __main__ guard neutralized (emitter)
    out = reference(**setup_inputs())
    print(out.shape, out.dtype)

if __name__ == "__main__":
    import jax
    _d = setup_inputs()
    print(jax.jit(kernel)(*tuple(_d.values())))

</pallas_src>

<mosaic_0001>
#map = affine_map<(d0, d1) -> (0)>
module attributes {stable_mosaic.version = 14 : i64} {
  func.func @gather_kernel(%arg0: i32, %arg1: i32, %arg2: memref<4096xf32, #tpu.memory_space<hbm>>, %arg3: memref<524288xi32, #tpu.memory_space<hbm>>, %arg4: memref<1048576xf32, #tpu.memory_space<hbm>>, %arg5: memref<4096xf32, #tpu.memory_space<vmem>>, %arg6: memref<16384xi32, #tpu.memory_space<vmem>>, %arg7: memref<32768xf32, #tpu.memory_space<vmem>>) attributes {dimension_semantics = [#tpu.dimension_semantics<core_parallel>, #tpu.dimension_semantics<subcore_parallel>], iteration_bounds = array<i64: 2, 16>, scalar_prefetch = 0 : i64, scratch_operands = 3 : i64, tpu.core_type = #tpu.core_type<sc_vector_subcore>, window_params = [{transform_indices = #map}, {transform_indices = #map}, {transform_indices = #map}]} {
    %mul3A = arith.constant 2 : i32
    %mul3A_0 = arith.muli %arg1, %mul3A : i32
    %add3A = arith.addi %mul3A_0, %arg0 : i32
    "tpu.region"() ({
      %run_scoped3A = tpu.sem_alloc : memref<!tpu.dma_semaphore, #tpu.memory_space<semaphore_mem>>
      tpu.enqueue_dma source(%arg2 : memref<4096xf32, #tpu.memory_space<hbm>>) target(%arg5 : memref<4096xf32, #tpu.memory_space<vmem>>) target_semaphore(%run_scoped3A : memref<!tpu.dma_semaphore, #tpu.memory_space<semaphore_mem>>)
      tpu.wait_dma2 semaphore(%run_scoped3A : memref<!tpu.dma_semaphore, #tpu.memory_space<semaphore_mem>>) src(%arg2 : memref<4096xf32, #tpu.memory_space<hbm>>) dst(%arg5 : memref<4096xf32, #tpu.memory_space<vmem>>)
      tpu.yield
    }) : () -> ()
    %mul3A_1 = arith.constant 16384 : i32
    %mul3A_2 = arith.muli %add3A, %mul3A_1 : i32
    "tpu.region"() ({
      %run_scoped3A = tpu.sem_alloc : memref<!tpu.dma_semaphore, #tpu.memory_space<semaphore_mem>>
      %dma_start3A = tpu.memref_slice %arg3[%mul3A_2] : memref<524288xi32, #tpu.memory_space<hbm>> -> memref<16384xi32, #tpu.memory_space<hbm>>
      %dma_start3A_11 = tpu.memref_slice %arg3[%mul3A_2] : memref<524288xi32, #tpu.memory_space<hbm>> -> memref<16384xi32, #tpu.memory_space<hbm>>
      tpu.enqueue_dma source(%dma_start3A_11 : memref<16384xi32, #tpu.memory_space<hbm>>) target(%arg6 : memref<16384xi32, #tpu.memory_space<vmem>>) target_semaphore(%run_scoped3A : memref<!tpu.dma_semaphore, #tpu.memory_space<semaphore_mem>>)
      %dma_wait3A = tpu.memref_slice %arg3[%mul3A_2] : memref<524288xi32, #tpu.memory_space<hbm>> -> memref<16384xi32, #tpu.memory_space<hbm>>
      %dma_wait3A_12 = tpu.memref_slice %arg3[%mul3A_2] : memref<524288xi32, #tpu.memory_space<hbm>> -> memref<16384xi32, #tpu.memory_space<hbm>>
      tpu.wait_dma2 semaphore(%run_scoped3A : memref<!tpu.dma_semaphore, #tpu.memory_space<semaphore_mem>>) src(%dma_wait3A_12 : memref<16384xi32, #tpu.memory_space<hbm>>) dst(%arg6 : memref<16384xi32, #tpu.memory_space<vmem>>)
      tpu.yield
    }) : () -> ()
    %scan3A = arith.constant 0 : i32
    %scan3A_3 = arith.constant 0 : i32
    %scan3A_4 = arith.constant 1024 : i32
    %scan3A_5 = arith.addi %scan3A_3, %scan3A_4 : i32
    %scan3A_6 = arith.constant 8 : i32
    %scan3A_7 = scf.for %scan3A_11 = %scan3A_3 to %scan3A_5 step %scan3A_6 iter_args(%scan3A_12 = %scan3A) -> (i32)  : i32 {
      %mul3A_13 = arith.constant 16 : i32
      %mul3A_14 = arith.muli %scan3A_11, %mul3A_13 : i32
      %add3A_15 = arith.constant 0 : i32
      %add3A_16 = arith.addi %add3A_15, %mul3A_14 : i32
      %get3A = arith.index_cast %add3A_16 : i32 to index
      %get3A_17 = tpu.vector_load %arg6[%get3A] {strides = array<i32>} : memref<16384xi32, #tpu.memory_space<vmem>>, vector<16xi32>,
      %and3A = arith.constant 65535 : i32
      %and3A_18 = vector.broadcast %and3A : i32 to vector<16xi32>
      %and3A_19 = arith.andi %get3A_17, %and3A_18 : vector<16xi32>
      %shift_right_arithmetic3A = arith.constant 16 : i32
      %shift_right_arithmetic3A_20 = vector.broadcast %shift_right_arithmetic3A : i32 to vector<16xi32>
      %shift_right_arithmetic3A_21 = arith.shrsi %get3A_17, %shift_right_arithmetic3A_20 : vector<16xi32>
      %mul3A_22 = arith.constant 16 : i32
      %mul3A_23 = arith.muli %scan3A_11, %mul3A_22 : i32
      %add3A_24 = arith.constant 0 : i32
      %add3A_25 = arith.addi %add3A_24, %mul3A_23 : i32
      %gather3A = tpu.vector_load_idx %arg5[%and3A_19] : memref<4096xf32, #tpu.memory_space<vmem>>[vector<16xi32>], vector<16xf32>,
      %swap3A = arith.index_cast %add3A_25 : i32 to index
      %swap3A_26 = tpu.vector_load %arg7[%swap3A] {strides = array<i32>} : memref<32768xf32, #tpu.memory_space<vmem>>, vector<16xf32>,
      tpu.vector_store %arg7[%swap3A], %gather3A {strides = array<i32>} : memref<32768xf32, #tpu.memory_space<vmem>>, vector<16xf32>,
      %gather3A_27 = tpu.vector_load_idx %arg5[%shift_right_arithmetic3A_21] : memref<4096xf32, #tpu.memory_space<vmem>>[vector<16xi32>], vector<16xf32>,
      %add3A_28 = arith.constant 16384 : i32
      %add3A_29 = arith.addi %add3A_25, %add3A_28 : i32
      %swap3A_30 = arith.index_cast %add3A_29 : i32 to index
      %swap3A_31 = tpu.vector_load %arg7[%swap3A_30] {strides = array<i32>} : memref<32768xf32, #tpu.memory_space<vmem>>, vector<16xf32>,
      tpu.vector_store %arg7[%swap3A_30], %gather3A_27 {strides = array<i32>} : memref<32768xf32, #tpu.memory_space<vmem>>, vector<16xf32>,
      %scan3A_32 = arith.constant 0 : i32
      %scan3A_33 = arith.constant 1 : i32
      %scan3A_34 = arith.addi %scan3A_11, %scan3A_33 : i32
      %mul3A_35 = arith.constant 16 : i32
      %mul3A_36 = arith.muli %scan3A_34, %mul3A_35 : i32
      %add3A_37 = arith.constant 0 : i32
      %add3A_38 = arith.addi %add3A_37, %mul3A_36 : i32
      %get3A_39 = arith.index_cast %add3A_38 : i32 to index
      %get3A_40 = tpu.vector_load %arg6[%get3A_39] {strides = array<i32>} : memref<16384xi32, #tpu.memory_space<vmem>>, vector<16xi32>,
      %and3A_41 = arith.constant 65535 : i32
      %and3A_42 = vector.broadcast %and3A_41 : i32 to vector<16xi32>
      %and3A_43 = arith.andi %get3A_40, %and3A_42 : vector<16xi32>
      %shift_right_arithmetic3A_44 = arith.constant 16 : i32
      %shift_right_arithmetic3A_45 = vector.broadcast %shift_right_arithmetic3A_44 : i32 to vector<16xi32>
      %shift_right_arithmetic3A_46 = arith.shrsi %get3A_40, %shift_right_arithmetic3A_45 : vector<16xi32>
      %mul3A_47 = arith.constant 16 : i32
      %mul3A_48 = arith.muli %scan3A_34, %mul3A_47 : i32
      %add3A_49 = arith.constant 0 : i32
      %add3A_50 = arith.addi %add3A_49, %mul3A_48 : i32
      %gather3A_51 = tpu.vector_load_idx %arg5[%and3A_43] : memref<4096xf32, #tpu.memory_space<vmem>>[vector<16xi32>], vector<16xf32>,
      %swap3A_52 = arith.index_cast %add3A_50 : i32 to index
      %swap3A_53 = tpu.vector_load %arg7[%swap3A_52] {strides = array<i32>} : memref<32768xf32, #tpu.memory_space<vmem>>, vector<16xf32>,
      tpu.vector_store %arg7[%swap3A_52], %gather3A_51 {strides = array<i32>} : memref<32768xf32, #tpu.memory_space<vmem>>, vector<16xf32>,
      %gather3A_54 = tpu.vector_load_idx %arg5[%shift_right_arithmetic3A_46] : memref<4096xf32, #tpu.memory_space<vmem>>[vector<16xi32>], vector<16xf32>,
      %add3A_55 = arith.constant 16384 : i32
      %add3A_56 = arith.addi %add3A_50, %add3A_55 : i32
      %swap3A_57 = arith.index_cast %add3A_56 : i32 to index
      %swap3A_58 = tpu.vector_load %arg7[%swap3A_57] {strides = array<i32>} : memref<32768xf32, #tpu.memory_space<vmem>>, vector<16xf32>,
      tpu.vector_store %arg7[%swap3A_57], %gather3A_54 {strides = array<i32>} : memref<32768xf32, #tpu.memory_space<vmem>>, vector<16xf32>,
      %scan3A_59 = arith.constant 0 : i32
      %scan3A_60 = arith.constant 2 : i32
      %scan3A_61 = arith.addi %scan3A_11, %scan3A_60 : i32
      %mul3A_62 = arith.constant 16 : i32
      %mul3A_63 = arith.muli %scan3A_61, %mul3A_62 : i32
      %add3A_64 = arith.constant 0 : i32
      %add3A_65 = arith.addi %add3A_64, %mul3A_63 : i32
      %get3A_66 = arith.index_cast %add3A_65 : i32 to index
      %get3A_67 = tpu.vector_load %arg6[%get3A_66] {strides = array<i32>} : memref<16384xi32, #tpu.memory_space<vmem>>, vector<16xi32>,
      %and3A_68 = arith.constant 65535 : i32
      %and3A_69 = vector.broadcast %and3A_68 : i32 to vector<16xi32>
      %and3A_70 = arith.andi %get3A_67, %and3A_69 : vector<16xi32>
      %shift_right_arithmetic3A_71 = arith.constant 16 : i32
      %shift_right_arithmetic3A_72 = vector.broadcast %shift_right_arithmetic3A_71 : i32 to vector<16xi32>
      %shift_right_arithmetic3A_73 = arith.shrsi %get3A_67, %shift_right_arithmetic3A_72 : vector<16xi32>
      %mul3A_74 = arith.constant 16 : i32
      %mul3A_75 = arith.muli %scan3A_61, %mul3A_74 : i32
      %add3A_76 = arith.constant 0 : i32
      %add3A_77 = arith.addi %add3A_76, %mul3A_75 : i32
      %gather3A_78 = tpu.vector_load_idx %arg5[%and3A_70] : memref<4096xf32, #tpu.memory_space<vmem>>[vector<16xi32>], vector<16xf32>,
      %swap3A_79 = arith.index_cast %add3A_77 : i32 to index
      %swap3A_80 = tpu.vector_load %arg7[%swap3A_79] {strides = array<i32>} : memref<32768xf32, #tpu.memory_space<vmem>>, vector<16xf32>,
      tpu.vector_store %arg7[%swap3A_79], %gather3A_78 {strides = array<i32>} : memref<32768xf32, #tpu.memory_space<vmem>>, vector<16xf32>,
      %gather3A_81 = tpu.vector_load_idx %arg5[%shift_right_arithmetic3A_73] : memref<4096xf32, #tpu.memory_space<vmem>>[vector<16xi32>], vector<16xf32>,
      %add3A_82 = arith.constant 16384 : i32
      %add3A_83 = arith.addi %add3A_77, %add3A_82 : i32
      %swap3A_84 = arith.index_cast %add3A_83 : i32 to index
      %swap3A_85 = tpu.vector_load %arg7[%swap3A_84] {strides = array<i32>} : memref<32768xf32, #tpu.memory_space<vmem>>, vector<16xf32>,
      tpu.vector_store %arg7[%swap3A_84], %gather3A_81 {strides = array<i32>} : memref<32768xf32, #tpu.memory_space<vmem>>, vector<16xf32>,
      %scan3A_86 = arith.constant 0 : i32
      %scan3A_87 = arith.constant 3 : i32
      %scan3A_88 = arith.addi %scan3A_11, %scan3A_87 : i32
      %mul3A_89 = arith.constant 16 : i32
      %mul3A_90 = arith.muli %scan3A_88, %mul3A_89 : i32
      %add3A_91 = arith.constant 0 : i32
      %add3A_92 = arith.addi %add3A_91, %mul3A_90 : i32
      %get3A_93 = arith.index_cast %add3A_92 : i32 to index
      %get3A_94 = tpu.vector_load %arg6[%get3A_93] {strides = array<i32>} : memref<16384xi32, #tpu.memory_space<vmem>>, vector<16xi32>,
      %and3A_95 = arith.constant 65535 : i32
      %and3A_96 = vector.broadcast %and3A_95 : i32 to vector<16xi32>
      %and3A_97 = arith.andi %get3A_94, %and3A_96 : vector<16xi32>
      %shift_right_arithmetic3A_98 = arith.constant 16 : i32
      %shift_right_arithmetic3A_99 = vector.broadcast %shift_right_arithmetic3A_98 : i32 to vector<16xi32>
      %shift_right_arithmetic3A_100 = arith.shrsi %get3A_94, %shift_right_arithmetic3A_99 : vector<16xi32>
      %mul3A_101 = arith.constant 16 : i32
      %mul3A_102 = arith.muli %scan3A_88, %mul3A_101 : i32
      %add3A_103 = arith.constant 0 : i32
      %add3A_104 = arith.addi %add3A_103, %mul3A_102 : i32
      %gather3A_105 = tpu.vector_load_idx %arg5[%and3A_97] : memref<4096xf32, #tpu.memory_space<vmem>>[vector<16xi32>], vector<16xf32>,
      %swap3A_106 = arith.index_cast %add3A_104 : i32 to index
      %swap3A_107 = tpu.vector_load %arg7[%swap3A_106] {strides = array<i32>} : memref<32768xf32, #tpu.memory_space<vmem>>, vector<16xf32>,
      tpu.vector_store %arg7[%swap3A_106], %gather3A_105 {strides = array<i32>} : memref<32768xf32, #tpu.memory_space<vmem>>, vector<16xf32>,
      %gather3A_108 = tpu.vector_load_idx %arg5[%shift_right_arithmetic3A_100] : memref<4096xf32, #tpu.memory_space<vmem>>[vector<16xi32>], vector<16xf32>,
      %add3A_109 = arith.constant 16384 : i32
      %add3A_110 = arith.addi %add3A_104, %add3A_109 : i32
      %swap3A_111 = arith.index_cast %add3A_110 : i32 to index
      %swap3A_112 = tpu.vector_load %arg7[%swap3A_111] {strides = array<i32>} : memref<32768xf32, #tpu.memory_space<vmem>>, vector<16xf32>,
      tpu.vector_store %arg7[%swap3A_111], %gather3A_108 {strides = array<i32>} : memref<32768xf32, #tpu.memory_space<vmem>>, vector<16xf32>,
      %scan3A_113 = arith.constant 0 : i32
      %scan3A_114 = arith.constant 4 : i32
      %scan3A_115 = arith.addi %scan3A_11, %scan3A_114 : i32
      %mul3A_116 = arith.constant 16 : i32
      %mul3A_117 = arith.muli %scan3A_115, %mul3A_116 : i32
      %add3A_118 = arith.constant 0 : i32
      %add3A_119 = arith.addi %add3A_118, %mul3A_117 : i32
      %get3A_120 = arith.index_cast %add3A_119 : i32 to index
      %get3A_121 = tpu.vector_load %arg6[%get3A_120] {strides = array<i32>} : memref<16384xi32, #tpu.memory_space<vmem>>, vector<16xi32>,
      %and3A_122 = arith.constant 65535 : i32
      %and3A_123 = vector.broadcast %and3A_122 : i32 to vector<16xi32>
      %and3A_124 = arith.andi %get3A_121, %and3A_123 : vector<16xi32>
      %shift_right_arithmetic3A_125 = arith.constant 16 : i32
      %shift_right_arithmetic3A_126 = vector.broadcast %shift_right_arithmetic3A_125 : i32 to vector<16xi32>
      %shift_right_arithmetic3A_127 = arith.shrsi %get3A_121, %shift_right_arithmetic3A_126 : vector<16xi32>
      %mul3A_128 = arith.constant 16 : i32
      %mul3A_129 = arith.muli %scan3A_115, %mul3A_128 : i32
      %add3A_130 = arith.constant 0 : i32
      %add3A_131 = arith.addi %add3A_130, %mul3A_129 : i32
      %gather3A_132 = tpu.vector_load_idx %arg5[%and3A_124] : memref<4096xf32, #tpu.memory_space<vmem>>[vector<16xi32>], vector<16xf32>,
      %swap3A_133 = arith.index_cast %add3A_131 : i32 to index
      %swap3A_134 = tpu.vector_load %arg7[%swap3A_133] {strides = array<i32>} : memref<32768xf32, #tpu.memory_space<vmem>>, vector<16xf32>,
      tpu.vector_store %arg7[%swap3A_133], %gather3A_132 {strides = array<i32>} : memref<32768xf32, #tpu.memory_space<vmem>>, vector<16xf32>,
      %gather3A_135 = tpu.vector_load_idx %arg5[%shift_right_arithmetic3A_127] : memref<4096xf32, #tpu.memory_space<vmem>>[vector<16xi32>], vector<16xf32>,
      %add3A_136 = arith.constant 16384 : i32
      %add3A_137 = arith.addi %add3A_131, %add3A_136 : i32
      %swap3A_138 = arith.index_cast %add3A_137 : i32 to index
      %swap3A_139 = tpu.vector_load %arg7[%swap3A_138] {strides = array<i32>} : memref<32768xf32, #tpu.memory_space<vmem>>, vector<16xf32>,
      tpu.vector_store %arg7[%swap3A_138], %gather3A_135 {strides = array<i32>} : memref<32768xf32, #tpu.memory_space<vmem>>, vector<16xf32>,
      %scan3A_140 = arith.constant 0 : i32
      %scan3A_141 = arith.constant 5 : i32
      %scan3A_142 = arith.addi %scan3A_11, %scan3A_141 : i32
      %mul3A_143 = arith.constant 16 : i32
      %mul3A_144 = arith.muli %scan3A_142, %mul3A_143 : i32
      %add3A_145 = arith.constant 0 : i32
      %add3A_146 = arith.addi %add3A_145, %mul3A_144 : i32
      %get3A_147 = arith.index_cast %add3A_146 : i32 to index
      %get3A_148 = tpu.vector_load %arg6[%get3A_147] {strides = array<i32>} : memref<16384xi32, #tpu.memory_space<vmem>>, vector<16xi32>,
      %and3A_149 = arith.constant 65535 : i32
      %and3A_150 = vector.broadcast %and3A_149 : i32 to vector<16xi32>
      %and3A_151 = arith.andi %get3A_148, %and3A_150 : vector<16xi32>
      %shift_right_arithmetic3A_152 = arith.constant 16 : i32
      %shift_right_arithmetic3A_153 = vector.broadcast %shift_right_arithmetic3A_152 : i32 to vector<16xi32>
      %shift_right_arithmetic3A_154 = arith.shrsi %get3A_148, %shift_right_arithmetic3A_153 : vector<16xi32>
      %mul3A_155 = arith.constant 16 : i32
      %mul3A_156 = arith.muli %scan3A_142, %mul3A_155 : i32
      %add3A_157 = arith.constant 0 : i32
      %add3A_158 = arith.addi %add3A_157, %mul3A_156 : i32
      %gather3A_159 = tpu.vector_load_idx %arg5[%and3A_151] : memref<4096xf32, #tpu.memory_space<vmem>>[vector<16xi32>], vector<16xf32>,
      %swap3A_160 = arith.index_cast %add3A_158 : i32 to index
      %swap3A_161 = tpu.vector_load %arg7[%swap3A_160] {strides = array<i32>} : memref<32768xf32, #tpu.memory_space<vmem>>, vector<16xf32>,
      tpu.vector_store %arg7[%swap3A_160], %gather3A_159 {strides = array<i32>} : memref<32768xf32, #tpu.memory_space<vmem>>, vector<16xf32>,
      %gather3A_162 = tpu.vector_load_idx %arg5[%shift_right_arithmetic3A_154] : memref<4096xf32, #tpu.memory_space<vmem>>[vector<16xi32>], vector<16xf32>,
      %add3A_163 = arith.constant 16384 : i32
      %add3A_164 = arith.addi %add3A_158, %add3A_163 : i32
      %swap3A_165 = arith.index_cast %add3A_164 : i32 to index
      %swap3A_166 = tpu.vector_load %arg7[%swap3A_165] {strides = array<i32>} : memref<32768xf32, #tpu.memory_space<vmem>>, vector<16xf32>,
      tpu.vector_store %arg7[%swap3A_165], %gather3A_162 {strides = array<i32>} : memref<32768xf32, #tpu.memory_space<vmem>>, vector<16xf32>,
      %scan3A_167 = arith.constant 0 : i32
      %scan3A_168 = arith.constant 6 : i32
      %scan3A_169 = arith.addi %scan3A_11, %scan3A_168 : i32
      %mul3A_170 = arith.constant 16 : i32
      %mul3A_171 = arith.muli %scan3A_169, %mul3A_170 : i32
      %add3A_172 = arith.constant 0 : i32
      %add3A_173 = arith.addi %add3A_172, %mul3A_171 : i32
      %get3A_174 = arith.index_cast %add3A_173 : i32 to index
      %get3A_175 = tpu.vector_load %arg6[%get3A_174] {strides = array<i32>} : memref<16384xi32, #tpu.memory_space<vmem>>, vector<16xi32>,
      %and3A_176 = arith.constant 65535 : i32
      %and3A_177 = vector.broadcast %and3A_176 : i32 to vector<16xi32>
      %and3A_178 = arith.andi %get3A_175, %and3A_177 : vector<16xi32>
      %shift_right_arithmetic3A_179 = arith.constant 16 : i32
      %shift_right_arithmetic3A_180 = vector.broadcast %shift_right_arithmetic3A_179 : i32 to vector<16xi32>
      %shift_right_arithmetic3A_181 = arith.shrsi %get3A_175, %shift_right_arithmetic3A_180 : vector<16xi32>
      %mul3A_182 = arith.constant 16 : i32
      %mul3A_183 = arith.muli %scan3A_169, %mul3A_182 : i32
      %add3A_184 = arith.constant 0 : i32
      %add3A_185 = arith.addi %add3A_184, %mul3A_183 : i32
      %gather3A_186 = tpu.vector_load_idx %arg5[%and3A_178] : memref<4096xf32, #tpu.memory_space<vmem>>[vector<16xi32>], vector<16xf32>,
      %swap3A_187 = arith.index_cast %add3A_185 : i32 to index
      %swap3A_188 = tpu.vector_load %arg7[%swap3A_187] {strides = array<i32>} : memref<32768xf32, #tpu.memory_space<vmem>>, vector<16xf32>,
      tpu.vector_store %arg7[%swap3A_187], %gather3A_186 {strides = array<i32>} : memref<32768xf32, #tpu.memory_space<vmem>>, vector<16xf32>,
      %gather3A_189 = tpu.vector_load_idx %arg5[%shift_right_arithmetic3A_181] : memref<4096xf32, #tpu.memory_space<vmem>>[vector<16xi32>], vector<16xf32>,
      %add3A_190 = arith.constant 16384 : i32
      %add3A_191 = arith.addi %add3A_185, %add3A_190 : i32
      %swap3A_192 = arith.index_cast %add3A_191 : i32 to index
      %swap3A_193 = tpu.vector_load %arg7[%swap3A_192] {strides = array<i32>} : memref<32768xf32, #tpu.memory_space<vmem>>, vector<16xf32>,
      tpu.vector_store %arg7[%swap3A_192], %gather3A_189 {strides = array<i32>} : memref<32768xf32, #tpu.memory_space<vmem>>, vector<16xf32>,
      %scan3A_194 = arith.constant 0 : i32
      %scan3A_195 = arith.constant 7 : i32
      %scan3A_196 = arith.addi %scan3A_11, %scan3A_195 : i32
      %mul3A_197 = arith.constant 16 : i32
      %mul3A_198 = arith.muli %scan3A_196, %mul3A_197 : i32
      %add3A_199 = arith.constant 0 : i32
      %add3A_200 = arith.addi %add3A_199, %mul3A_198 : i32
      %get3A_201 = arith.index_cast %add3A_200 : i32 to index
      %get3A_202 = tpu.vector_load %arg6[%get3A_201] {strides = array<i32>} : memref<16384xi32, #tpu.memory_space<vmem>>, vector<16xi32>,
      %and3A_203 = arith.constant 65535 : i32
      %and3A_204 = vector.broadcast %and3A_203 : i32 to vector<16xi32>
      %and3A_205 = arith.andi %get3A_202, %and3A_204 : vector<16xi32>
      %shift_right_arithmetic3A_206 = arith.constant 16 : i32
      %shift_right_arithmetic3A_207 = vector.broadcast %shift_right_arithmetic3A_206 : i32 to vector<16xi32>
      %shift_right_arithmetic3A_208 = arith.shrsi %get3A_202, %shift_right_arithmetic3A_207 : vector<16xi32>
      %mul3A_209 = arith.constant 16 : i32
      %mul3A_210 = arith.muli %scan3A_196, %mul3A_209 : i32
      %add3A_211 = arith.constant 0 : i32
      %add3A_212 = arith.addi %add3A_211, %mul3A_210 : i32
      %gather3A_213 = tpu.vector_load_idx %arg5[%and3A_205] : memref<4096xf32, #tpu.memory_space<vmem>>[vector<16xi32>], vector<16xf32>,
      %swap3A_214 = arith.index_cast %add3A_212 : i32 to index
      %swap3A_215 = tpu.vector_load %arg7[%swap3A_214] {strides = array<i32>} : memref<32768xf32, #tpu.memory_space<vmem>>, vector<16xf32>,
      tpu.vector_store %arg7[%swap3A_214], %gather3A_213 {strides = array<i32>} : memref<32768xf32, #tpu.memory_space<vmem>>, vector<16xf32>,
      %gather3A_216 = tpu.vector_load_idx %arg5[%shift_right_arithmetic3A_208] : memref<4096xf32, #tpu.memory_space<vmem>>[vector<16xi32>], vector<16xf32>,
      %add3A_217 = arith.constant 16384 : i32
      %add3A_218 = arith.addi %add3A_212, %add3A_217 : i32
      %swap3A_219 = arith.index_cast %add3A_218 : i32 to index
      %swap3A_220 = tpu.vector_load %arg7[%swap3A_219] {strides = array<i32>} : memref<32768xf32, #tpu.memory_space<vmem>>, vector<16xf32>,
      tpu.vector_store %arg7[%swap3A_219], %gather3A_216 {strides = array<i32>} : memref<32768xf32, #tpu.memory_space<vmem>>, vector<16xf32>,
      %scan3A_221 = arith.constant 0 : i32
      scf.yield %scan3A_221 : i32
    }
    %scan3A_8 = arith.constant 1024 : i32
    %mul3A_9 = arith.constant 32768 : i32
    %mul3A_10 = arith.muli %add3A, %mul3A_9 : i32
    "tpu.region"() ({
      %run_scoped3A = tpu.sem_alloc : memref<!tpu.dma_semaphore, #tpu.memory_space<semaphore_mem>>
      %dma_start3A = tpu.memref_slice %arg4[%mul3A_10] : memref<1048576xf32, #tpu.memory_space<hbm>> -> memref<32768xf32, #tpu.memory_space<hbm>>
      %dma_start3A_11 = tpu.memref_slice %arg4[%mul3A_10] : memref<1048576xf32, #tpu.memory_space<hbm>> -> memref<32768xf32, #tpu.memory_space<hbm>>
      tpu.enqueue_dma source(%arg7 : memref<32768xf32, #tpu.memory_space<vmem>>) target(%dma_start3A_11 : memref<32768xf32, #tpu.memory_space<hbm>>) target_semaphore(%run_scoped3A : memref<!tpu.dma_semaphore, #tpu.memory_space<semaphore_mem>>)
      %dma_wait3A = tpu.memref_slice %arg4[%mul3A_10] : memref<1048576xf32, #tpu.memory_space<hbm>> -> memref<32768xf32, #tpu.memory_space<hbm>>
      %dma_wait3A_12 = tpu.memref_slice %arg4[%mul3A_10] : memref<1048576xf32, #tpu.memory_space<hbm>> -> memref<32768xf32, #tpu.memory_space<hbm>>
      tpu.wait_dma2 semaphore(%run_scoped3A : memref<!tpu.dma_semaphore, #tpu.memory_space<semaphore_mem>>) src(%arg7 : memref<32768xf32, #tpu.memory_space<vmem>>) dst(%dma_wait3A_12 : memref<32768xf32, #tpu.memory_space<hbm>>)
      tpu.yield
    }) : () -> ()
    return
  }
}

module attributes {stable_mosaic.version = 14 : i64} {
  func.func @_tc_digitize_kernel(%arg0: i32, %arg1: memref<64x32768xf32, #tpu.memory_space<vmem>>, %arg2: memref<64x1xf32, #tpu.memory_space<vmem>>, %arg3: memref<64x1xf32, #tpu.memory_space<vmem>>, %arg4: memref<16x16xf32, #tpu.memory_space<vmem>>, %arg5: memref<16x16xf32, #tpu.memory_space<vmem>>, %arg6: memref<16x64xf32, #tpu.memory_space<vmem>>, %arg7: memref<16x256xi32, #tpu.memory_space<vmem>>, %arg8: memref<1x1x16384xi32, #tpu.memory_space<vmem>>, %arg9: memref<16x256xf32, #tpu.memory_space<vmem>>) attributes {dimension_semantics = [#tpu.dimension_semantics<arbitrary>], iteration_bounds = array<i64: 32>, scalar_prefetch = 0 : i64, scratch_operands = 0 : i64, tpu.core_type = #tpu.core_type<tc>, window_params = [{transform_indices = @transform_0, window_bounds = array<i64: 64, 32768>}, {pipeline_mode = #tpu.pipeline_mode<synchronous>, transform_indices = @transform_1, window_bounds = array<i64: 64, 1>}, {pipeline_mode = #tpu.pipeline_mode<synchronous>, transform_indices = @transform_2, window_bounds = array<i64: 64, 1>}, {pipeline_mode = #tpu.pipeline_mode<synchronous>, transform_indices = @transform_3, window_bounds = array<i64: 16, 16>}, {pipeline_mode = #tpu.pipeline_mode<synchronous>, transform_indices = @transform_4, window_bounds = array<i64: 16, 16>}, {pipeline_mode = #tpu.pipeline_mode<synchronous>, transform_indices = @transform_5, window_bounds = array<i64: 16, 64>}, {pipeline_mode = #tpu.pipeline_mode<synchronous>, transform_indices = @transform_6, window_bounds = array<i64: 16, 256>}, {transform_indices = @transform_7, window_bounds = array<i64: 1, 1, 16384>}, {pipeline_mode = #tpu.pipeline_mode<synchronous>, transform_indices = @transform_8, window_bounds = array<i64: 16, 256>}]} {
    %get3A = arith.constant 0 : index
    %get3A_0 = arith.constant 0 : index
    %get3A_1 = vector.load %arg3[%get3A, %get3A_0] : memref<64x1xf32, #tpu.memory_space<vmem>>, vector<64x1xf32>
    %div3A = arith.constant 1.000000e+00 : f32
    %div3A_2 = vector.broadcast %div3A : f32 to vector<64x1xf32>
    %div3A_3 = arith.divf %div3A_2, %get3A_1 : vector<64x1xf32>
    %get3A_4 = arith.constant 0 : index
    %get3A_5 = arith.constant 0 : index
    %get3A_6 = vector.load %arg1[%get3A_4, %get3A_5] : memref<64x32768xf32, #tpu.memory_space<vmem>>, vector<64x32768xf32>
    %get3A_7 = arith.constant 0 : index
    %get3A_8 = arith.constant 0 : index
    %get3A_9 = vector.load %arg2[%get3A_7, %get3A_8] : memref<64x1xf32, #tpu.memory_space<vmem>>, vector<64x1xf32>
    %sub3A = vector.broadcast %get3A_9 : vector<64x1xf32> to vector<64x32768xf32>
    %sub3A_10 = arith.subf %get3A_6, %sub3A : vector<64x32768xf32>
    %mul3A = vector.broadcast %div3A_3 : vector<64x1xf32> to vector<64x32768xf32>
    %mul3A_11 = arith.mulf %sub3A_10, %mul3A : vector<64x32768xf32>
    %mul3A_12 = arith.mulf %mul3A_11, %mul3A_11 : vector<64x32768xf32>
    %reduce_sum3A = arith.constant dense<0.000000e+00> : vector<32768xf32>
    %reduce_sum3A_13 = vector.multi_reduction <add>, %mul3A_12, %reduce_sum3A [0] : vector<64x32768xf32> to vector<32768xf32>
    %broadcast_in_dim3A = vector.shape_cast %reduce_sum3A_13 : vector<32768xf32> to vector<1x32768xf32>
    %sqrt3A = math.sqrt %broadcast_in_dim3A : vector<1x32768xf32>
    %add3A = arith.constant 9.99999996E-13 : f32
    %add3A_14 = vector.broadcast %add3A : f32 to vector<1x32768xf32>
    %add3A_15 = arith.addf %sqrt3A, %add3A_14 : vector<1x32768xf32>
    %div3A_16 = arith.constant 1.000000e+00 : f32
    %div3A_17 = vector.broadcast %div3A_16 : f32 to vector<1x32768xf32>
    %div3A_18 = arith.divf %div3A_17, %add3A_15 : vector<1x32768xf32>
    %mul3A_19 = vector.broadcast %div3A_18 : vector<1x32768xf32> to vector<64x32768xf32>
    %mul3A_20 = arith.mulf %mul3A_11, %mul3A_19 : vector<64x32768xf32>
    %get3A_21 = arith.constant 0 : index
    %get3A_22 = arith.constant 0 : index
    %get3A_23 = vector.load %arg6[%get3A_21, %get3A_22] : memref<16x64xf32, #tpu.memory_space<vmem>>, vector<16x64xf32>
    %dot_general3A = arith.constant dense<0.000000e+00> : vector<16x32768xf32>
    %dot_general3A_24 = tpu.matmul %get3A_23, %mul3A_20, %dot_general3A {dimension_numbers = #tpu.dot_dimension_numbers<[1], [0], [0], [1], [0, 0, 1, 1], [], []>, transpose_lhs_hint = false} : vector<16x64xf32>, vector<64x32768xf32>, vector<16x32768xf32> -> vector<16x32768xf32>
    %bitcast_convert_type3A = tpu.bitcast %dot_general3A_24 : vector<16x32768xf32> -> vector<16x32768xi32>
    %shift_right_arithmetic3A = arith.constant 31 : i32
    %shift_right_arithmetic3A_25 = vector.broadcast %shift_right_arithmetic3A : i32 to vector<16x32768xi32>
    %shift_right_arithmetic3A_26 = arith.shrsi %bitcast_convert_type3A, %shift_right_arithmetic3A_25 : vector<16x32768xi32>
    %and3A = arith.constant 2147483647 : i32
    %and3A_27 = vector.broadcast %and3A : i32 to vector<16x32768xi32>
    %and3A_28 = arith.andi %shift_right_arithmetic3A_26, %and3A_27 : vector<16x32768xi32>
    %xor3A = arith.xori %bitcast_convert_type3A, %and3A_28 : vector<16x32768xi32>
    %or3A = arith.constant 15 : i32
    %or3A_29 = vector.broadcast %or3A : i32 to vector<16x32768xi32>
    %or3A_30 = arith.ori %xor3A, %or3A_29 : vector<16x32768xi32>
    %iota3A = tpu.iota {dimensions = array<i32: 0>} : vector<16x32768xi32>
    %sub3A_31 = arith.subi %or3A_30, %iota3A : vector<16x32768xi32>
    %reduce_max3A = arith.constant dense<-2147483648> : vector<32768xi32>
    %reduce_max3A_32 = vector.multi_reduction <maxsi>, %sub3A_31, %reduce_max3A [0] : vector<16x32768xi32> to vector<32768xi32>
    %broadcast_in_dim3A_33 = vector.shape_cast %reduce_max3A_32 : vector<32768xi32> to vector<1x32768xi32>
    %and3A_34 = arith.constant 15 : i32
    %and3A_35 = vector.broadcast %and3A_34 : i32 to vector<1x32768xi32>
    %and3A_36 = arith.andi %broadcast_in_dim3A_33, %and3A_35 : vector<1x32768xi32>
    %sub3A_37 = arith.constant 15 : i32
    %sub3A_38 = vector.broadcast %sub3A_37 : i32 to vector<1x32768xi32>
    %sub3A_39 = arith.subi %sub3A_38, %and3A_36 : vector<1x32768xi32>
    %get3A_40 = arith.constant 0 : index
    %get3A_41 = arith.constant 0 : index
    %get3A_42 = vector.load %arg4[%get3A_40, %get3A_41] : memref<16x16xf32, #tpu.memory_space<vmem>>, vector<16x16xf32>
    %slice3A = vector.extract_strided_slice %get3A_42 {offsets = [0, 0], sizes = [16, 1], strides = [1, 1]} : vector<16x16xf32> to vector<16x1xf32>
    %le3A = vector.broadcast %slice3A : vector<16x1xf32> to vector<16x32768xf32>
    %le3A_43 = vector.broadcast %sqrt3A : vector<1x32768xf32> to vector<16x32768xf32>
    %le3A_44 = arith.cmpf ole, %le3A, %le3A_43 : vector<16x32768xf32>
    %convert_element_type3A = arith.extui %le3A_44 : vector<16x32768xi1> to vector<16x32768xi32>
    %convert_element_type3A_45 = arith.sitofp %convert_element_type3A : vector<16x32768xi32> to vector<16x32768xf32>
    %reduce_sum3A_46 = arith.constant dense<0.000000e+00> : vector<32768xf32>
    %reduce_sum3A_47 = vector.multi_reduction <add>, %convert_element_type3A_45, %reduce_sum3A_46 [0] : vector<16x32768xf32> to vector<32768xf32>
    %broadcast_in_dim3A_48 = vector.shape_cast %reduce_sum3A_47 : vector<32768xf32> to vector<1x32768xf32>
    %slice3A_49 = vector.extract_strided_slice %convert_element_type3A_45 {offsets = [1, 0], sizes = [15, 32768], strides = [1, 1]} : vector<16x32768xf32> to vector<15x32768xf32>
    %broadcast_in_dim3A_50 = arith.constant 0.000000e+00 : f32
    %broadcast_in_dim3A_51 = vector.broadcast %broadcast_in_dim3A_50 : f32 to vector<1x32768xf32>
    %concatenate3A = tpu.concatenate %slice3A_49, %broadcast_in_dim3A_51 in 0 : vector<15x32768xf32>, vector<1x32768xf32> -> vector<16x32768xf32>
    %sub3A_52 = arith.subf %convert_element_type3A_45, %concatenate3A : vector<16x32768xf32>
    %get3A_53 = arith.constant 0 : index
    %get3A_54 = arith.constant 0 : index
    %get3A_55 = vector.load %arg5[%get3A_53, %get3A_54] : memref<16x16xf32, #tpu.memory_space<vmem>>, vector<16x16xf32>
    %dot_general3A_56 = arith.constant dense<0.000000e+00> : vector<16x32768xf32>
    %dot_general3A_57 = tpu.matmul %get3A_55, %sub3A_52, %dot_general3A_56 {dimension_numbers = #tpu.dot_dimension_numbers<[1], [0], [0], [1], [0, 0, 1, 1], [], []>, precision = #tpu.contract_precision<fp32>, transpose_lhs_hint = false} : vector<16x16xf32>, vector<16x32768xf32>, vector<16x32768xf32> -> vector<16x32768xf32>
    %le3A_58 = vector.broadcast %sqrt3A : vector<1x32768xf32> to vector<16x32768xf32>
    %le3A_59 = arith.cmpf ole, %dot_general3A_57, %le3A_58 : vector<16x32768xf32>
    %convert_element_type3A_60 = arith.extui %le3A_59 : vector<16x32768xi1> to vector<16x32768xi32>
    %convert_element_type3A_61 = arith.sitofp %convert_element_type3A_60 : vector<16x32768xi32> to vector<16x32768xf32>
    %reduce_sum3A_62 = arith.constant dense<0.000000e+00> : vector<32768xf32>
    %reduce_sum3A_63 = vector.multi_reduction <add>, %convert_element_type3A_61, %reduce_sum3A_62 [0] : vector<16x32768xf32> to vector<32768xf32>
    %broadcast_in_dim3A_64 = vector.shape_cast %reduce_sum3A_63 : vector<32768xf32> to vector<1x32768xf32>
    %sub3A_65 = arith.constant 1.000000e+00 : f32
    %sub3A_66 = vector.broadcast %sub3A_65 : f32 to vector<1x32768xf32>
    %sub3A_67 = arith.subf %broadcast_in_dim3A_48, %sub3A_66 : vector<1x32768xf32>
    %mul3A_68 = arith.constant 1.600000e+01 : f32
    %mul3A_69 = vector.broadcast %mul3A_68 : f32 to vector<1x32768xf32>
    %mul3A_70 = arith.mulf %mul3A_69, %sub3A_67 : vector<1x32768xf32>
    %add3A_71 = arith.addf %mul3A_70, %broadcast_in_dim3A_64 : vector<1x32768xf32>
    %sub3A_72 = arith.constant 1.000000e+00 : f32
    %sub3A_73 = vector.broadcast %sub3A_72 : f32 to vector<1x32768xf32>
    %sub3A_74 = arith.subf %add3A_71, %sub3A_73 : vector<1x32768xf32>
    %convert_element_type3A_75 = arith.fptosi %sub3A_74 : vector<1x32768xf32> to vector<1x32768xi32>
    %jit3A = arith.constant 0 : i32
    %jit3A_76 = arith.constant 255 : i32
    %max3A = vector.broadcast %jit3A : i32 to vector<1x32768xi32>
    %max3A_77 = arith.maxsi %max3A, %convert_element_type3A_75 : vector<1x32768xi32>
    %min3A = vector.broadcast %jit3A_76 : i32 to vector<1x32768xi32>
    %min3A_78 = arith.minsi %min3A, %max3A_77 : vector<1x32768xi32>
    %mul3A_79 = arith.constant 256 : i32
    %mul3A_80 = vector.broadcast %mul3A_79 : i32 to vector<1x32768xi32>
    %mul3A_81 = arith.muli %sub3A_39, %mul3A_80 : vector<1x32768xi32>
    %add3A_82 = arith.addi %mul3A_81, %min3A_78 : vector<1x32768xi32>
    %slice3A_83 = vector.extract_strided_slice %add3A_82 {offsets = [0, 0], sizes = [1, 16384], strides = [1, 1]} : vector<1x32768xi32> to vector<1x16384xi32>
    %slice3A_84 = vector.extract_strided_slice %add3A_82 {offsets = [0, 16384], sizes = [1, 16384], strides = [1, 1]} : vector<1x32768xi32> to vector<1x16384xi32>
    %shift_left3A = arith.constant 16 : i32
    %shift_left3A_85 = vector.broadcast %shift_left3A : i32 to vector<1x16384xi32>
    %shift_left3A_86 = arith.shli %slice3A_84, %shift_left3A_85 : vector<1x16384xi32>
    %or3A_87 = arith.ori %slice3A_83, %shift_left3A_86 : vector<1x16384xi32>
    %reshape3A = vector.shape_cast %or3A_87 : vector<1x16384xi32> to vector<1x1x16384xi32>
    %swap3A = arith.constant 0 : index
    %swap3A_88 = arith.constant 0 : index
    %swap3A_89 = arith.constant 0 : index
    %swap3A_90 = vector.load %arg8[%swap3A, %swap3A_88, %swap3A_89] : memref<1x1x16384xi32, #tpu.memory_space<vmem>>, vector<1x1x16384xi32>
    tpu.vector_store %arg8[%swap3A, %swap3A_88, %swap3A_89], %reshape3A {strides = array<i32>} : memref<1x1x16384xi32, #tpu.memory_space<vmem>>, vector<1x1x16384xi32>,
    %get3A_91 = arith.constant 0 : index
    %get3A_92 = arith.constant 0 : index
    %get3A_93 = vector.load %arg7[%get3A_91, %get3A_92] : memref<16x256xi32, #tpu.memory_space<vmem>>, vector<16x256xi32>
    %reduce_sum3A_94 = vector.shape_cast %get3A_93 : vector<16x256xi32> to vector<1x16x256xi32>
    %reduce_sum3A_95 = arith.constant dense<0> : vector<1xi32>
    %reduce_sum3A_96 = vector.multi_reduction <add>, %reduce_sum3A_94, %reduce_sum3A_95 [1, 2] : vector<1x16x256xi32> to vector<1xi32>
    %reduce_sum3A_97 = vector.shape_cast %reduce_sum3A_96 : vector<1xi32> to vector<1x1x1xi32>
    %reduce_sum3A_98 = vector.extract %reduce_sum3A_97[0, 0, 0] : i32 from vector<1x1x1xi32>
    %max3A_99 = arith.constant 1 : i32
    %max3A_100 = arith.maxsi %max3A_99, %reduce_sum3A_98 : i32
    %get3A_101 = arith.constant 0 : index
    %get3A_102 = arith.constant 0 : index
    %get3A_103 = vector.load %arg7[%get3A_101, %get3A_102] : memref<16x256xi32, #tpu.memory_space<vmem>>, vector<16x256xi32>
    %convert_element_type3A_104 = arith.sitofp %get3A_103 : vector<16x256xi32> to vector<16x256xf32>
    %convert_element_type3A_105 = arith.sitofp %max3A_100 : i32 to f32
    %div3A_106 = vector.broadcast %convert_element_type3A_105 : f32 to vector<16x256xf32>
    %div3A_107 = arith.divf %convert_element_type3A_104, %div3A_106 : vector<16x256xf32>
    %swap3A_108 = arith.constant 0 : index
    %swap3A_109 = arith.constant 0 : index
    %swap3A_110 = vector.load %arg9[%swap3A_108, %swap3A_109] : memref<16x256xf32, #tpu.memory_space<vmem>>, vector<16x256xf32>
    tpu.vector_store %arg9[%swap3A_108, %swap3A_109], %div3A_107 {strides = array<i32>} : memref<16x256xf32, #tpu.memory_space<vmem>>, vector<16x256xf32>,
    return
  }
  func.func @transform_0(%arg0: i32) -> (i32, i32) {
    %c0_i32 = arith.constant 0 : i32
    %c0_i32_0 = arith.constant 0 : i32
    return %c0_i32, %arg0 : i32, i32
  }
  func.func @transform_1(%arg0: i32) -> (i32, i32) {
    %c0_i32 = arith.constant 0 : i32
    %c0_i32_0 = arith.constant 0 : i32
    %c0_i32_1 = arith.constant 0 : i32
    return %c0_i32, %c0_i32_0 : i32, i32
  }
  func.func @transform_2(%arg0: i32) -> (i32, i32) {
    %c0_i32 = arith.constant 0 : i32
    %c0_i32_0 = arith.constant 0 : i32
    %c0_i32_1 = arith.constant 0 : i32
    return %c0_i32, %c0_i32_0 : i32, i32
  }
  func.func @transform_3(%arg0: i32) -> (i32, i32) {
    %c0_i32 = arith.constant 0 : i32
    %c0_i32_0 = arith.constant 0 : i32
    %c0_i32_1 = arith.constant 0 : i32
    return %c0_i32, %c0_i32_0 : i32, i32
  }
  func.func @transform_4(%arg0: i32) -> (i32, i32) {
    %c0_i32 = arith.constant 0 : i32
    %c0_i32_0 = arith.constant 0 : i32
    %c0_i32_1 = arith.constant 0 : i32
    return %c0_i32, %c0_i32_0 : i32, i32
  }
  func.func @transform_5(%arg0: i32) -> (i32, i32) {
    %c0_i32 = arith.constant 0 : i32
    %c0_i32_0 = arith.constant 0 : i32
    %c0_i32_1 = arith.constant 0 : i32
    return %c0_i32, %c0_i32_0 : i32, i32
  }
  func.func @transform_6(%arg0: i32) -> (i32, i32) {
    %c0_i32 = arith.constant 0 : i32
    %c0_i32_0 = arith.constant 0 : i32
    %c0_i32_1 = arith.constant 0 : i32
    return %c0_i32, %c0_i32_0 : i32, i32
  }
  func.func @transform_7(%arg0: i32) -> (i32, i32, i32) {
    %c0_i32 = arith.constant 0 : i32
    %c0_i32_0 = arith.constant 0 : i32
    %c0_i32_1 = arith.constant 0 : i32
    return %arg0, %c0_i32, %c0_i32_0 : i32, i32, i32
  }
  func.func @transform_8(%arg0: i32) -> (i32, i32) {
    %c0_i32 = arith.constant 0 : i32
    %c0_i32_0 = arith.constant 0 : i32
    %c0_i32_1 = arith.constant 0 : i32
    return %c0_i32, %c0_i32_0 : i32, i32
  }
}

</mosaic_0001>

<sc_bundles>
// kernel: kernel.4.cloned.1.call-start
scs
__scs_entry_jumppad:
0x0: {  	(pc) =	sbr.rel $0x88, $3  }
0x1: {  	(tag) =	ssettag $0x0;
	lr =	simm.s32 $0x1  }
0x2: {  	[smem:$0x3F9B] =	sst lr;
	_ =	strace $0xD0000000  }
0x3: {  	_ = 	snop  }
0x4: {  	_ = 	snop  }
0x5: {  	_ = 	snop  }
0x6: {  	_ = 	snop  }
0x7: {  	_ = 	snop  }
__scs_overlays_trampoline_lowered:
0x8: {  	[smem:$0x3FAA] =	sst s0  }
0x9: {  	[smem:$0x3FAB] =	sst s1  }
0xa: {  	[smem:$0x3FAC] =	sst s2  }
0xb: {  	[smem:$0x3FAD] =	sst s3  }
0xc: {  	[smem:$0x3FAE] =	sst s4  }
0xd: {  	[smem:$0x3FAF] =	sst s5  }
0xe: {  	[smem:$0x3FB0] =	sst s6  }
0xf: {  	[smem:$0x3FB1] =	sst s7  }
0x10: {  	[smem:$0x3FB2] =	sst s8  }
0x11: {  	[smem:$0x3FB3] =	sst s9;
	s0 =	simm.s32 @!p0 $0x0  }
0x12: {  	s1 =	sld [smem:$0x3F99];
	s0 =	simm.s32 @p0 $0x1  }
0x13: {  	[smem:$0x3FB4] =	sst s0;
	s0 =	simm.s32 @!p1 $0x0  }
0x14: {  	s2 =	sld [smem:$0x3F98];
	s0 =	simm.s32 @p1 $0x1  }
0x15: {  	[smem:$0x3FB5] =	sst s0;
	s0 =	simm.s32 @!p2 $0x0  }
0x16: {  	s3 =	sld [smem:$0x3FDB];
	s0 =	simm.s32 @p2 $0x1  }
0x17: {  	s4 =	simm.s32 $0x1BF5;
	[smem:$0x3FB7] =	sst s0  }
0x18: {  	s0 =	sld [smem:$0x3F9A];
	_ =	swait.ge [sflag:s4], $0x0  }
0x19: {  	s7 =	sld [smem:$0x3F9B]  }
0x1a: {  	s8 =	sadd.s32 $0xFFFFE003, lr  }
0x1b: {  	s9 =	sadd.s32 $0xFFFFFEF7, lr;
	s5 =	simm.s32 $0xFFFFFFFF;
	p2 =	slt.u32 s8, $0xFFFFF086  }
0x1c: {  	p1 =	slt.u32 s9, $0xF7A;
	s5 =	simm.s32 @!p2 $0x0  }
0x1d: {  	s5 =	simm.s32 @p1 $0x1;
	p0 =	seq.s32 s7, s2  }
0x1e: {  	s7 =	smul.u32 @!p0 $0xF7A, s2;
	p2 =	seq.s32 @!p0 s5, $0x0  }
0x1f: {  	s9 =	smul.u32 $0xF7A, s1;
	s8 =	simm.s32 @!p0 $0x1BF5;
	p2 =	por !p2, p0  }
0x20: {  	[sflag:s8] =	ssyncset.s32 @!p0 $0xFFFFF086;
	s6 =	sadd.s32 @!p0 s3, s7;
	s7 =	simm.s32 @!p0 $0x108  }
0x21: {  	s3 =	sadd.s32 s3, s9;
	s6 =	sadd.s32 @!p0 $0x88, s6;
	s7 =	simm.s32 @p2 $0x1082  }
0x22: {  	[simem:s7], [sflag:s8] =	dma.local @!p0 [hbm:s6], $0xF7A  }
0x23: {  	s9 =	sor.u32 $0xD0000000, s2;
	s6 =	simm.s32 $0x108;
	_ =	swait.ge @!p0 [sflag:s8], $0x0  }
0x24: {  	s3 =	sadd.s32 $0x88, s3;
	s6 =	simm.s32 @!p1 $0x1082;
	[sflag:s4] =	ssyncset.s32 $0xFFFFF086  }
0x25: {  	[simem:s6], [sflag:s4] =	dma.local [hbm:s3], $0xF7A  }
0x26: {  	[smem:$0x3F9B] =	sst s1;
	(tag) =	ssettag s2;
	_ =	strace s9  }
0x27: {  	s1 =	sld [smem:$0x3FAB]  }
0x28: {  	s2 =	sld [smem:$0x3FAC]  }
0x29: {  	s4 =	sld [smem:$0x3FAE]  }
0x2a: {  	p0 =	seq.s32 s5, $0x0;
	s5 =	sld [smem:$0x3FAF]  }
0x2b: {  	s6 =	sld [smem:$0x3FB0]  }
0x2c: {  	s7 =	sld [smem:$0x3FB1]  }
0x2d: {  	s3 =	simm.s32 $0x108;
	s8 =	sld [smem:$0x3FB2]  }
0x2e: {  	s3 =	simm.s32 @!p0 $0x1082;
	s9 =	sld [smem:$0x3FB3]  }
0x2f: {  	lr =	sadd.s32 s0, s3;
	s0 =	sld [smem:$0x3FAA]  }
0x30: {  	s3 =	sld [smem:$0x3FAD]  }
0x31: {  	[smem:$0x3FB6] =	sst s10  }
0x32: {  	s10 =	sld [smem:$0x3FB4];
	_ =	sdelay $0x3  }
0x33: {  	p0 =	seq.s32 s10, $0x1;
	s10 =	sld [smem:$0x3FB6];
	_ =	sdelay $0x3  }
0x34: {  	[smem:$0x3FB6] =	sst s10  }
0x35: {  	s10 =	sld [smem:$0x3FB5];
	_ =	sdelay $0x3  }
0x36: {  	p1 =	seq.s32 s10, $0x1;
	s10 =	sld [smem:$0x3FB6];
	_ =	sdelay $0x3  }
0x37: {  	[smem:$0x3FB6] =	sst s10  }
0x38: {  	s10 =	sld [smem:$0x3FB7]  }
0x39: {  	_ = 	snop;
	(pc) =	sbr.ind lr, $3  }
0x3a: {  	_ = 	snop  }
0x3b: {  	_ = 	snop  }
0x3c: {  	p2 =	seq.s32 s10, $0x1;
	s10 =	sld [smem:$0x3FB6]  }
0x3d: {  	_ =	shalt  }
0x3e: {  	_ =	shalt  }
0x3f: {  	_ =	shalt  }
0x40: {  	_ =	shalt  }
0x41: {  	_ =	shalt  }
0x42: {  	_ =	shalt  }
0x43: {  	_ =	shalt  }
0x44: {  	_ =	shalt  }
0x45: {  	_ =	shalt  }
0x46: {  	_ =	shalt  }
0x47: {  	_ =	shalt  }
0x48: {  	_ =	shalt  }
0x49: {  	_ =	shalt  }
0x4a: {  	_ =	shalt  }
0x4b: {  	_ =	shalt  }
0x4c: {  	_ =	shalt  }
0x4d: {  	_ =	shalt  }
0x4e: {  	_ =	shalt  }
0x4f: {  	_ =	shalt  }
0x50: {  	_ =	shalt  }
0x51: {  	_ =	shalt  }
0x52: {  	_ =	shalt  }
0x53: {  	_ =	shalt  }
0x54: {  	_ =	shalt  }
0x55: {  	_ =	shalt  }
0x56: {  	_ =	shalt  }
0x57: {  	_ =	shalt  }
0x58: {  	_ =	shalt  }
0x59: {  	_ =	shalt  }
0x5a: {  	_ =	shalt  }
0x5b: {  	_ =	shalt  }
0x5c: {  	_ =	shalt  }
0x5d: {  	_ =	shalt  }
0x5e: {  	_ =	shalt  }
0x5f: {  	_ =	shalt  }
0x60: {  	_ =	shalt  }
0x61: {  	_ =	shalt  }
0x62: {  	_ =	shalt  }
0x63: {  	_ =	shalt  }
0x64: {  	_ =	shalt  }
0x65: {  	_ =	shalt  }
0x66: {  	_ =	shalt  }
0x67: {  	_ =	shalt  }
0x68: {  	_ =	shalt  }
0x69: {  	_ =	shalt  }
0x6a: {  	_ =	shalt  }
0x6b: {  	_ =	shalt  }
0x6c: {  	_ =	shalt  }
0x6d: {  	_ =	shalt  }
0x6e: {  	_ =	shalt  }
0x6f: {  	_ =	shalt  }
0x70: {  	_ =	shalt  }
0x71: {  	_ =	shalt  }
0x72: {  	_ =	shalt  }
0x73: {  	_ =	shalt  }
0x74: {  	_ =	shalt  }
0x75: {  	_ =	shalt  }
0x76: {  	_ =	shalt  }
0x77: {  	_ =	shalt  }
0x78: {  	_ =	shalt  }
0x79: {  	_ =	shalt  }
0x7a: {  	_ =	shalt  }
0x7b: {  	_ =	shalt  }
0x7c: {  	_ =	shalt  }
0x7d: {  	_ =	shalt  }
0x7e: {  	_ =	shalt  }
0x7f: {  	_ =	shalt  }
0x80: {  	_ =	shalt  }
0x81: {  	_ =	shalt  }
0x82: {  	_ =	shalt  }
0x83: {  	_ =	shalt  }
0x84: {  	_ =	shalt  }
0x85: {  	_ =	shalt  }
0x86: {  	_ =	shalt  }
0x87: {  	_ =	shalt  }
.Lfunc_end0:
.L_simem_size_0:
called_computation_lowered:
.L_overlay_start_0:
0x88: {  	s2 =	sld [smem:$0x3FD9]  }
0x89: {  	s3 =	sld [smem:$0x3FFE];
	_ =	sdelay $0x1  }
0x8a: {  	s1 =	srdreg.scid  }
0x8b: {  	s0 =	sand.u32 $0x1, s1  }
0x8c: {  	s17 =	sshll.u32 s0, $0xA;
	s2 =	sadd.s32 s3, s2  }
0x8d: {  	s2 =	sadd.s32 s2, s17  }
0x8e: {  	[smem:$0x3FC2] =	sst s2  }
0x8f: {  	_ = 	snop  }
0x90: {  	s2 =	sld [smem:$0x3FD0];
	(tm) =	ssettm $0x1  }
0x91: {  	s18 =	sld [smem:$0x3FFB];
	_ =	sdelay $0x3  }
0x92: {  	_ =	strace s18  }
0x93: {  	s3 =	sld [smem:$0x3FFC];
	_ =	sdelay $0x3  }
0x94: {  	_ =	strace s3  }
0x95: {  	s3 =	sld [smem:$0x3FFD];
	_ =	sdelay $0x3  }
0x96: {  	_ =	strace s3  }
0x97: {  	_ =	strace $0x8FFFFFFF  }
0x98: {  	s19 =	sld [smem:$0x3FDB];
	_ =	sdelay $0x1  }
0x99: {  	s4 =	simm.s32 $_scs_section_size  }
0x9a: {  	s5 =	simm.s32 $_size__tile_overlayer_lowered;
	s6 =	simm.s32 $_tile_overlayer_lowered  }
0x9b: {  	s22 =	simm.s32 $0x1BFF;
	s21 =	sshll.u32 s6, $0x1;
	s3 =	sadd.s32 s4, s19  }
0x9c: {  	s7 =	simm.s32 $0x0;
	s20 =	sshll.u32 s5, $0x1;
	s5 =	sadd.s32 s21, s3  }
0x9d: {  	[timem:s7], [sflag:s22] =	dma.local [hbm:s5], s20  }
0x9e: {  	_ =	swait.ge [sflag:s22], s20  }
0x9f: {  	s4 =	ssub.s32 $0x0, s20;
	[sflag:s22] =	ssyncset.done $0x0  }
0xa0: {  	[sflag:s22] =	ssyncadd.s32 s4;
	_ =	sdelay $0x1  }
0xa1: {  	s23 =	simm.s32 $0x1B8B  }
0xa2: {  	_ =	swait.ge [sflag:s23], $0x1  }
0xa3: {  	[sflag:s23] =	ssyncset.done $0x0  }
0xa4: {  	s25 =	simm.s32 $0x1B8E;
	s24 =	sld [smem:$0x3FFE];
	[sflag:s23] =	ssyncadd.s32 $0xFFFFFFFF  }
0xa5: {  	s26 =	simm.s32 $execute0_lowered;
	[smem:$0x3FD2] =	sst s25  }
0xa6: {  	s5 =	sshll.u32 s26, $0x1;
	_ =	strace $0x80000046;
	[dreg:$0x1] =	wrdreg $0xFFFFFFFF  }
0xa7: {  	s28 =	simm.s32 $_size_execute0_lowered;
	s3 =	sadd.s32 s3, s5;
	[dreg:$0x0] =	wrdreg $0x0  }
0xa8: {  	s5 =	sshll.u32 s28, $0x1;
	[dreg:$0x2] =	wrdreg s3  }
0xa9: {  	[dreg:$0x3] =	wrdreg s5  }
0xaa: {  	[dreg:$0x4] =	wrdreg $0xC0  }
0xab: {  	_ =	task [dreg:s7], $0x5FFFF  }
0xac: {  	[dreg:$0x1] =	wrdreg $0xFFFFFFFF  }
0xad: {  	[dreg:$0x0] =	wrdreg $0x60  }
0xae: {  	[dreg:$0x2] =	wrdreg s24  }
0xaf: {  	[dreg:$0x3] =	wrdreg s2  }
0xb0: {  	[dreg:$0x4] =	wrdreg $0x9  }
0xb1: {  	_ =	task.clear_ibuf [dreg:s7], $0x5FFFF;
	_ =	strace $0x90000046  }
0xb2: {  	s29 =	simm.s32 $0x9;
	_ =	strace $0x80000048  }
0xb3: {  	_ =	swait.ge [sflag:s29], $0x1  }
0xb4: {  	[sflag:s29] =	ssyncadd.s32 $0xFFFFFFFF  }
0xb5: {  	_ =	strace $0x90000048  }
0xb6: {  	_ =	sfence  }
0xb7: {  	s30 =	sld [smem:$0x0];
	_ =	sdelay $0x2  }
0xb8: {  	s31 =	sshll.u32 s1, $0xD;
	s1 =	sshrl.u32 s1, $0x2  }
0xb9: {  	s3 =	sand.u32 $0x4000, s31;
	s1 =	sadd.s32 s1, s30  }
0xba: {  	s0 =	sor.u32 s3, s0;
	s1 =	sshll.u32 s1, $0x11  }
0xbb: {  	s0 =	sor.u32 s1, s0  }
0xbc: {  	s0 =	sadd.s32 $0x8F2B, s0  }
0xbd: {  	[sflag:s0] =	ssyncadd.remote.s32 $0x1  }
0xbe: {  	_ =	sfence.sel $0xFFFF  }
0xbf: {  	[dreg:$0x0] =	wrdreg $0xFFFFFFFF;
	(pc) =	sbr.abs _section_cstart, $3  }
0xc0: {  	[dreg:$0x1] =	wrdreg $0xFFFFFFFF  }
0xc1: {  	_ =	task.clear_ibuf [dreg:s7], $0x2FFFF;
	_ =	strace $0x9FFFFFFF  }
0xc2: {  	(tm) =	ssettm $0x7FFFFFFF  }
0xc3: {  	_ =	shalt  }
tec
execute0_lowered:
.L_overlay_start_1:
0x0: {  	(tag) =	ssettag $0x1  }
0x1: {  	s4 =	rddreg [dreg:$0x0]  }
0x2: {  	s5 =	rddreg [dreg:$0x1]  }
0x3: {  	s0 =	rddreg [dreg:$0x2];
	s3 =	srdreg.scid  }
0x4: {  	s1 =	stileid.u32;
	s2 =	simm.s32 $0x0;
	s9 =	simm.s32 $0x5000  }
0x5: {  	s3 =	sand.u32 $0x1, s3;
	s6 =	sshll.u32 s1, $0x1;
	[smem:$0x7FF] =	sst s2  }
0x6: {  	s10 =	simm.s32 $0x0;
	s6 =	sor.u32 s3, s6;
	_ =	strace $0x80000047  }
0x7: {  	s8 =	ssub.s32 $0x2, s3;
	s3 =	sadd.s32 $0x10C00, s4;
	s7 =	sshll.u32 s6, $0xB  }
0x8: {  	s31 =	sshrl.u32 s8, $0x1;
	s6 =	sshll.u32 s6, $0xC;
	s4 =	sadd.s32 s7, s4  }
0x9: {  	s7 =	ssub.s32 s8, s31;
	s5 =	sadd.s32 s5, s6;
	s8 =	simm.s32 $0x1000  }
0xa: {  	s4 =	sadd.s32 $0xC00, s4;
	s6 =	smax.u32 s7, $0x1;
	s7 =	simm.s32 $0x1  }
.LBB2_1:
0xb: {  	[tilespmem:s2], [sflag:$0x1] =	stream.linear.gather [hbm4b:s3+s2], $0x1000, $0x38;
	[tilespmem:$0xD000] =	vst v63  }
0xc: {  	_ =	swait.ge [sflag:s7], $0x1000  }
0xd: {  	[sflag:s7] =	ssyncset.done $0x0  }
0xe: {  	[sflag:s7] =	ssyncadd.s32 $0xFFFFF000  }
0xf: {  	[tilespmem:s8], [sflag:$0x1] =	stream.linear.gather [hbm4b:s4+s2], $0x4000, $0x38;
	[tilespmem:$0xD000] =	vst v63  }
0x10: {  	_ =	swait.ge [sflag:s7], $0x4000  }
0x11: {  	[sflag:s7] =	ssyncset.done $0x0  }
0x12: {  	s11 =	simm.s32 $0x0;
	[sflag:s7] =	ssyncadd.s32 $0xFFFFC000  }
0x13: {  	v0 =	vld [tilespmem:s11+$0x1000];
	_ =	sdelay $0x4  }
0x14: {  	v1 =	vand.u32 $0xFFFF, v0;
	_ =	sdelay $0x4  }
0x15: {  	v1 =	vld.idx.msk [tilespmem:v1+s2+$0x0], $0xffff  }
0x16: {  	v0 =	vshra.s32 v0, $0x10  }
0x17: {  	v2 =	vld [tilespmem:s11+$0x1010];
	_ =	sdelay $0x2  }
0x18: {  	[tilespmem:s11+$0x5000] =	vst v1  }
0x19: {  	v0 =	vld.idx.msk [tilespmem:v0+s2+$0x0], $0xffff  }
0x1a: {  	v1 =	vand.u32 $0xFFFF, v2;
	_ =	sdelay $0x3  }
0x1b: {  	[tilespmem:s11+$0x9000] =	vst v0  }
0x1c: {  	v0 =	vld.idx.msk [tilespmem:v1+s2+$0x0], $0xffff  }
0x1d: {  	v1 =	vshra.s32 v2, $0x10  }
0x1e: {  	v2 =	vld [tilespmem:s11+$0x1020];
	_ =	sdelay $0x2  }
0x1f: {  	[tilespmem:s11+$0x5010] =	vst v0  }
0x20: {  	v0 =	vld.idx.msk [tilespmem:v1+s2+$0x0], $0xffff  }
0x21: {  	v1 =	vand.u32 $0xFFFF, v2;
	_ =	sdelay $0x3  }
0x22: {  	[tilespmem:s11+$0x9010] =	vst v0  }
0x23: {  	v0 =	vld.idx.msk [tilespmem:v1+s2+$0x0], $0xffff  }
0x24: {  	v1 =	vshra.s32 v2, $0x10  }
0x25: {  	v2 =	vld [tilespmem:s11+$0x1030];
	_ =	sdelay $0x2  }
0x26: {  	[tilespmem:s11+$0x5020] =	vst v0  }
0x27: {  	v0 =	vld.idx.msk [tilespmem:v1+s2+$0x0], $0xffff  }
0x28: {  	v1 =	vand.u32 $0xFFFF, v2;
	_ =	sdelay $0x3  }
0x29: {  	[tilespmem:s11+$0x9020] =	vst v0  }
0x2a: {  	v0 =	vld.idx.msk [tilespmem:v1+s2+$0x0], $0xffff  }
0x2b: {  	v1 =	vshra.s32 v2, $0x10  }
0x2c: {  	v2 =	vld [tilespmem:s11+$0x1040];
	_ =	sdelay $0x2  }
0x2d: {  	[tilespmem:s11+$0x5030] =	vst v0  }
0x2e: {  	v0 =	vld.idx.msk [tilespmem:v1+s2+$0x0], $0xffff  }
0x2f: {  	v1 =	vand.u32 $0xFFFF, v2;
	_ =	sdelay $0x3  }
0x30: {  	[tilespmem:s11+$0x9030] =	vst v0  }
0x31: {  	v0 =	vld.idx.msk [tilespmem:v1+s2+$0x0], $0xffff  }
0x32: {  	v1 =	vshra.s32 v2, $0x10  }
0x33: {  	v2 =	vld [tilespmem:s11+$0x1050];
	_ =	sdelay $0x2  }
0x34: {  	[tilespmem:s11+$0x5040] =	vst v0  }
0x35: {  	v0 =	vld.idx.msk [tilespmem:v1+s2+$0x0], $0xffff  }
0x36: {  	v1 =	vand.u32 $0xFFFF, v2;
	_ =	sdelay $0x3  }
0x37: {  	[tilespmem:s11+$0x9040] =	vst v0  }
0x38: {  	v0 =	vld.idx.msk [tilespmem:v1+s2+$0x0], $0xffff  }
0x39: {  	v1 =	vshra.s32 v2, $0x10  }
0x3a: {  	v2 =	vld [tilespmem:s11+$0x1060];
	_ =	sdelay $0x2  }
0x3b: {  	[tilespmem:s11+$0x5050] =	vst v0  }
0x3c: {  	v0 =	vld.idx.msk [tilespmem:v1+s2+$0x0], $0xffff  }
0x3d: {  	v1 =	vand.u32 $0xFFFF, v2;
	_ =	sdelay $0x3  }
0x3e: {  	[tilespmem:s11+$0x9050] =	vst v0  }
0x3f: {  	v0 =	vld.idx.msk [tilespmem:v1+s2+$0x0], $0xffff  }
0x40: {  	v1 =	vshra.s32 v2, $0x10  }
0x41: {  	v2 =	vld [tilespmem:s11+$0x1070];
	_ =	sdelay $0x2  }
0x42: {  	[tilespmem:s11+$0x5060] =	vst v0  }
0x43: {  	v0 =	vld.idx.msk [tilespmem:v1+s2+$0x0], $0xffff  }
0x44: {  	v1 =	vand.u32 $0xFFFF, v2;
	_ =	sdelay $0x3  }
0x45: {  	[tilespmem:s11+$0x9060] =	vst v0  }
0x46: {  	v0 =	vld.idx.msk [tilespmem:v1+s2+$0x0], $0xffff  }
0x47: {  	s12 =	simm.s32 $0x0;
	s13 =	simm.s32 $0x200;
	v1 =	vshra.s32 v2, $0x10  }
.LBB2_2:
0x48: {  	s14 =	sshra.s32 s13, $0x2;
	s12 =	sadd.s32 $0x8, s12  }
0x49: {  	v2 =	vld [tilespmem:s14+$0x1000];
	p0 =	slt.u32 s12, $0x3F8;
	_ =	sdelay $0x1  }
0x4a: {  	[tilespmem:s11+$0x5070] =	vst v0  }
0x4b: {  	v0 =	vld.idx.msk [tilespmem:v1+s2+$0x0], $0xffff;
	_ =	sdelay $0x1  }
0x4c: {  	v1 =	vand.u32 $0xFFFF, v2;
	_ =	sdelay $0x3  }
0x4d: {  	[tilespmem:s11+$0x9070] =	vst v0;
	s11 =	smov.u32 s14  }
0x4e: {  	v0 =	vld.idx.msk [tilespmem:v1+s2+$0x0], $0xffff;
	_ =	sdelay $0x1  }
0x4f: {  	v1 =	vshra.s32 v2, $0x10;
	_ =	sdelay $0x1  }
0x50: {  	v2 =	vld [tilespmem:s11+$0x1010];
	_ =	sdelay $0x1  }
0x51: {  	[tilespmem:s11+$0x5000] =	vst v0  }
0x52: {  	v0 =	vld.idx.msk [tilespmem:v1+s2+$0x0], $0xffff;
	_ =	sdelay $0x1  }
0x53: {  	v1 =	vand.u32 $0xFFFF, v2;
	_ =	sdelay $0x3  }
0x54: {  	[tilespmem:s11+$0x9000] =	vst v0  }
0x55: {  	v0 =	vld.idx.msk [tilespmem:v1+s2+$0x0], $0xffff;
	_ =	sdelay $0x1  }
0x56: {  	v1 =	vshra.s32 v2, $0x10;
	_ =	sdelay $0x1  }
0x57: {  	v2 =	vld [tilespmem:s11+$0x1020];
	_ =	sdelay $0x1  }
0x58: {  	[tilespmem:s11+$0x5010] =	vst v0  }
0x59: {  	v0 =	vld.idx.msk [tilespmem:v1+s2+$0x0], $0xffff;
	_ =	sdelay $0x1  }
0x5a: {  	v1 =	vand.u32 $0xFFFF, v2;
	_ =	sdelay $0x3  }
0x5b: {  	[tilespmem:s11+$0x9010] =	vst v0  }
0x5c: {  	v0 =	vld.idx.msk [tilespmem:v1+s2+$0x0], $0xffff;
	_ =	sdelay $0x1  }
0x5d: {  	v1 =	vshra.s32 v2, $0x10;
	_ =	sdelay $0x1  }
0x5e: {  	v2 =	vld [tilespmem:s11+$0x1030];
	_ =	sdelay $0x1  }
0x5f: {  	[tilespmem:s11+$0x5020] =	vst v0  }
0x60: {  	v0 =	vld.idx.msk [tilespmem:v1+s2+$0x0], $0xffff;
	_ =	sdelay $0x1  }
0x61: {  	v1 =	vand.u32 $0xFFFF, v2;
	_ =	sdelay $0x3  }
0x62: {  	[tilespmem:s11+$0x9020] =	vst v0  }
0x63: {  	v0 =	vld.idx.msk [tilespmem:v1+s2+$0x0], $0xffff;
	_ =	sdelay $0x1  }
0x64: {  	v1 =	vshra.s32 v2, $0x10;
	_ =	sdelay $0x1  }
0x65: {  	v2 =	vld [tilespmem:s11+$0x1040];
	_ =	sdelay $0x1  }
0x66: {  	[tilespmem:s11+$0x5030] =	vst v0  }
0x67: {  	v0 =	vld.idx.msk [tilespmem:v1+s2+$0x0], $0xffff;
	_ =	sdelay $0x1  }
0x68: {  	v1 =	vand.u32 $0xFFFF, v2;
	_ =	sdelay $0x3  }
0x69: {  	[tilespmem:s11+$0x9030] =	vst v0  }
0x6a: {  	v0 =	vld.idx.msk [tilespmem:v1+s2+$0x0], $0xffff;
	_ =	sdelay $0x1  }
0x6b: {  	v1 =	vshra.s32 v2, $0x10;
	_ =	sdelay $0x1  }
0x6c: {  	v2 =	vld [tilespmem:s11+$0x1050];
	_ =	sdelay $0x1  }
0x6d: {  	[tilespmem:s11+$0x5040] =	vst v0  }
0x6e: {  	v0 =	vld.idx.msk [tilespmem:v1+s2+$0x0], $0xffff;
	_ =	sdelay $0x1  }
0x6f: {  	v1 =	vand.u32 $0xFFFF, v2;
	_ =	sdelay $0x3  }
0x70: {  	[tilespmem:s11+$0x9040] =	vst v0  }
0x71: {  	v0 =	vld.idx.msk [tilespmem:v1+s2+$0x0], $0xffff;
	_ =	sdelay $0x1  }
0x72: {  	v1 =	vshra.s32 v2, $0x10;
	_ =	sdelay $0x1  }
0x73: {  	v2 =	vld [tilespmem:s11+$0x1060];
	_ =	sdelay $0x1  }
0x74: {  	[tilespmem:s11+$0x5050] =	vst v0  }
0x75: {  	v0 =	vld.idx.msk [tilespmem:v1+s2+$0x0], $0xffff;
	_ =	sdelay $0x1  }
0x76: {  	v1 =	vand.u32 $0xFFFF, v2;
	_ =	sdelay $0x3  }
0x77: {  	[tilespmem:s11+$0x9050] =	vst v0  }
0x78: {  	v0 =	vld.idx.msk [tilespmem:v1+s2+$0x0], $0xffff;
	_ =	sdelay $0x1  }
0x79: {  	v1 =	vshra.s32 v2, $0x10;
	_ =	sdelay $0x1  }
0x7a: {  	v2 =	vld [tilespmem:s11+$0x1070];
	_ =	sdelay $0x1  }
0x7b: {  	[tilespmem:s11+$0x5060] =	vst v0  }
0x7c: {  	v0 =	vld.idx.msk [tilespmem:v1+s2+$0x0], $0xffff;
	_ =	sdelay $0x1  }
0x7d: {  	v1 =	vand.u32 $0xFFFF, v2;
	_ =	sdelay $0x2  }
.Ltmp0:
0x7e: {  	(pc) =	sbr.rel @p0 .LBB2_2-.Ltmp0, $3  }
0x7f: {  	[tilespmem:s11+$0x9060] =	vst v0  }
0x80: {  	v0 =	vld.idx.msk [tilespmem:v1+s2+$0x0], $0xffff;
	_ =	sdelay $0x1  }
0x81: {  	s13 =	sadd.s32 $0x200, s13;
	v1 =	vshra.s32 v2, $0x10  }
0x82: {  	_ =	sdelay $0x2  }
0x83: {  	[tilespmem:s11+$0x5070] =	vst v0  }
0x84: {  	v0 =	vld.idx.msk [tilespmem:v1+s2+$0x0], $0xffff;
	_ =	sdelay $0x2  }
0x85: {  	s10 =	sadd.s32 $0x1, s10  }
0x86: {  	p0 =	sne.s32 s10, s6  }
.Ltmp1:
0x87: {  	[tilespmem:s11+$0x9070] =	vst v0;
	(pc) =	sbr.rel @p0 .LBB2_1-.Ltmp1, $4  }
0x88: {  	[hbm4b:s5+s2] =	stream.linear.scatter [tilespmem:s9], [sflag:$0x1], $0x8000, $0x38;
	[tilespmem:$0xD000] =	vst v63  }
0x89: {  	_ =	swait.ge [sflag:s7], $0x8000  }
0x8a: {  	[sflag:s7] =	ssyncset.done $0x0  }
0x8b: {  	[sflag:s7] =	ssyncadd.s32 $0xFFFF8000  }
0x8c: {  	_ =	sfence.sel $0x180000  }
0x8d: {  	[bflag:$0x0] =	sbarrier.arrive $0xFFFF  }
0x8e: {  	p0 =	sne.s32 s1, $0x0;
	_ =	strace $0x90000047  }
0x8f: {  	s0 =	sadd.s32 @!p0 $0x100000, s0;
	[bflag:$0x2] =	sbarrier.arrive $0xFFFF  }
0x90: {  	[sflag:s0] =	ssyncadd.tile.s32 @!p0 $0x1;
	_ =	shalt  }
.Lfunc_end2:
_tile_overlayer_lowered:
.L_overlay_start_2:
0x91: {  	(tag) =	ssettag $0x2  }
0x92: {  	s0 =	rddreg [dreg:$0x0];
	s2 =	stileid.u32  }
0x93: {  	s1 =	rddreg [dreg:$0x1];
	p0 =	sne.s32 s2, $0x0  }
0x94: {  	s3 =	rddreg [dreg:$0x2];
	[bflag:$0x3] =	sbarrier.arrive $0xFFFF;
	s2 =	simm.s32 @!p0 $0x1C01  }
0x95: {  	[timem:s3], [sflag:s2] =	dma.local @!p0 [hbm:s0], s1  }
0x96: {  	s0 =	simm.s32 @!p0 $0x1  }
0x97: {  	_ =	swait.ge @!p0 [sflag:s0], s1  }
0x98: {  	s1 =	ssub.s32 @!p0 $0x0, s1;
	[sflag:s0] =	ssyncset.done @!p0 $0x0  }
0x99: {  	[sflag:s0] =	ssyncadd.s32 @!p0 s1  }
0x9a: {  	[bflag:$0x3] =	sbarrier.arrive $0xFFFF  }
0x9b: {  	_ =	shalt  }

</sc_bundles>
